<compile_context>
chip_gen: v7x
topology: tpu7x:2x2x1
jax: 0.10.2.dev20260603
libtpu: 0.0.44.dev20260713+nightly
codegen_flags: <defaults>
</compile_context>

<pallas_src>
import functools

import jax
import jax.numpy as jnp
from jax import lax
from jax.experimental import pallas as pl
from jax.experimental.pallas import tpu as pltpu
from jax.experimental.pallas import tpu_sc as plsc

_MAX_SIZE = 4096
_N_PROTO = 51
_FEAT_DIM = 128
_N_REL = 16384
_INV_THRESH = 1.0 / 0.9

_RB = 8192
_NRB = _N_REL // _RB

_TCH = 1024
_NTCH = _N_REL // _TCH


def _route_tc_body(logits_ref, slot_ref, targ_ref, cnt_ref):
  z = logits_ref[...]
  mx = jnp.max(z, axis=0, keepdims=True)
  cls = lax.broadcasted_iota(jnp.int32, z.shape, 0)
  am = jnp.min(jnp.where(z >= mx, cls, _N_PROTO), axis=0)
  ssum = jnp.sum(jnp.exp(z - mx), axis=0)
  conf = ssum < _INV_THRESH
  targ = am * _MAX_SIZE + slot_ref[...]
  targ_ref[...] = jnp.where(conf, targ, -1)
  cnt_ref[0, 0, 0] = jnp.sum(jnp.where(conf, 1, 0)).astype(jnp.int32)


_route = pl.pallas_call(
    _route_tc_body,
    grid=(_NRB,),
    in_specs=[
        pl.BlockSpec((_N_PROTO, _RB), lambda i: (0, i)),
        pl.BlockSpec((_RB,), lambda i: (i,)),
    ],
    out_specs=[
        pl.BlockSpec((_RB,), lambda i: (i,)),
        pl.BlockSpec((1, 1, 1), lambda i: (i, 0, 0), memory_space=pltpu.SMEM),
    ],
    out_shape=[
        jax.ShapeDtypeStruct((_N_REL,), jnp.int32),
        jax.ShapeDtypeStruct((_NRB, 1, 1), jnp.int32),
    ],
    name="memory_banks_route",
)


def _scs_body(feature_hbm, targ_hbm, cnt_hbm, mem_ref,
              cnt_s, targ_s, row_v):
  pltpu.sync_copy(cnt_hbm, cnt_s)
  cnt = cnt_s[0, 0, 0]
  for b in range(1, _NRB):
    cnt = cnt + cnt_s[b, 0, 0]

  @pl.when(cnt > 0)
  def _rare():
    def chunk(k, carry):
      pltpu.sync_copy(targ_hbm.at[pl.ds(k * _TCH, _TCH)], targ_s)

      def cand(i, c2):
        t = targ_s[i]

        @pl.when(t >= 0)
        def _write():
          pltpu.sync_copy(feature_hbm.at[pl.ds(k * _TCH + i, 1), :], row_v)
          pltpu.sync_copy(row_v, mem_ref.at[pl.ds(t, 1), :])

        return c2

      lax.fori_loop(0, _TCH, cand, 0)
      return carry

    lax.fori_loop(0, _NTCH, chunk, 0)


_smesh = plsc.ScalarSubcoreMesh(axis_name="c", num_cores=1)

_scatter = pl.kernel(
    _scs_body,
    out_type=(),
    mesh=_smesh,
    scratch_types=[
        pltpu.SMEM((_NRB, 1, 1), jnp.int32),
        pltpu.SMEM((_TCH,), jnp.int32),
        pltpu.VMEM_SHARED((1, _FEAT_DIM), jnp.float32),
    ],
    name="memory_banks_scatter",
)


def kernel(mem, feature, rel_logits, slot_idx):
  logits_t = rel_logits.T
  targ_enc, counts = _route(logits_t, slot_idx)
  mem_ref = jax.new_ref(mem)
  _scatter(feature, targ_enc, counts, mem_ref)
  return mem_ref[...]

# --- scband reference (transcript-rebuilt; emitter-appended) ---
"""Pipeline reference for scband-memory-banks-56667798503460 (READ-ONLY COPY).

The authoritative reference and input builder live on the scoring server;
editing this copy changes nothing except your own understanding.
"""

import jax, jax.numpy as jnp
import numpy as np

MAX_SIZE = 4096
N_PROTO = 51
FEAT_DIM = 128
N_REL = 16384
CONFIDENT_THRESHOLD = 0.9


def setup_inputs(seed: int = 0) -> dict:
    key = jax.random.key(seed)
    k1, k2, k3, k4 = jax.random.split(key, 4)
    mem = jax.random.normal(k1, (N_PROTO * MAX_SIZE, FEAT_DIM), dtype=jnp.float32)
    feature = jax.random.normal(k2, (N_REL, FEAT_DIM), dtype=jnp.float32)
    rel_logits = jax.random.normal(k3, (N_REL, N_PROTO), dtype=jnp.float32)
    slot_idx = jax.random.randint(k4, (N_REL,), 0, MAX_SIZE, dtype=jnp.int32)
    return {"mem": mem, "feature": feature, "rel_logits": rel_logits, "slot_idx": slot_idx}


def reference(mem, feature, rel_logits, slot_idx):
    # MemoryBanks.write core path:
    # confident = softmax(rel_logits); prob, sub_pred = confident.max(-1)
    confident = jax.nn.softmax(rel_logits, axis=1)
    prob = jnp.max(confident, axis=-1)
    sub_pred = jnp.argmax(confident, axis=-1)
    # rel_mask = prob > confident_threshold
    rel_mask = prob > CONFIDENT_THRESHOLD
    # route each confident candidate to its predicted-class bank slot:
    # banks are flattened as mem[pred * MAX_SIZE + slot, :]
    target = sub_pred.astype(jnp.int32) * MAX_SIZE + slot_idx
    # masked-out candidates get an out-of-range index and are dropped
    target = jnp.where(rel_mask, target, mem.shape[0])
    # scatter-overwrite (queue-style buffer write) into the memory banks
    new_mem = mem.at[target].set(feature, mode="drop")
    return new_mem

if __name__ == "__main__":
    import jax
    _d = setup_inputs()
    print(jax.jit(kernel)(*tuple(_d.values())))

</pallas_src>

<mosaic_0001>
#map = affine_map<(d0) -> (0, 0)>
#map1 = affine_map<(d0) -> (0)>
#map2 = affine_map<(d0) -> (0, 0, 0)>
module attributes {stable_mosaic.version = 14 : i64} {
  func.func @new_body(%arg0: i32, %arg1: memref<16384x128xf32, #tpu.memory_space<hbm>>, %arg2: memref<16384xi32, #tpu.memory_space<hbm>>, %arg3: memref<2x1x1xi32, #tpu.memory_space<hbm>>, %arg4: memref<208896x128xf32, #tpu.memory_space<hbm>>, %arg5: memref<208896x128xf32, #tpu.memory_space<hbm>>, %arg6: memref<2x1x1xi32, #tpu.memory_space<smem>>, %arg7: memref<1024xi32, #tpu.memory_space<smem>>, %arg8: memref<1x128xf32, #tpu.memory_space<vmem_shared>>) attributes {dimension_semantics = [#tpu.dimension_semantics<core_parallel>], iteration_bounds = array<i64: 1>, scalar_prefetch = 0 : i64, scratch_operands = 3 : i64, tpu.core_type = #tpu.core_type<sc_scalar_subcore>, window_params = [{transform_indices = #map}, {transform_indices = #map1}, {transform_indices = #map2}, {transform_indices = #map}, {transform_indices = #map}]} {
    "tpu.region"() ({
      %run_scoped3A = tpu.sem_alloc : memref<!tpu.dma_semaphore, #tpu.memory_space<semaphore_mem>>
      tpu.enqueue_dma source(%arg3 : memref<2x1x1xi32, #tpu.memory_space<hbm>>) target(%arg6 : memref<2x1x1xi32, #tpu.memory_space<smem>>) target_semaphore(%run_scoped3A : memref<!tpu.dma_semaphore, #tpu.memory_space<semaphore_mem>>)
      tpu.wait_dma2 semaphore(%run_scoped3A : memref<!tpu.dma_semaphore, #tpu.memory_space<semaphore_mem>>) src(%arg3 : memref<2x1x1xi32, #tpu.memory_space<hbm>>) dst(%arg6 : memref<2x1x1xi32, #tpu.memory_space<smem>>)
      tpu.yield
    }) : () -> ()
    %get3A = arith.constant 0 : i32
    %get3A_0 = arith.constant 0 : i32
    %get3A_1 = arith.constant 0 : i32
    %get3A_2 = arith.index_cast %get3A : i32 to index
    %get3A_3 = arith.index_cast %get3A_0 : i32 to index
    %get3A_4 = arith.index_cast %get3A_1 : i32 to index
    %get3A_5 = memref.load %arg6[%get3A_2, %get3A_3, %get3A_4] : memref<2x1x1xi32, #tpu.memory_space<smem>>
    %get3A_6 = arith.constant 1 : i32
    %get3A_7 = arith.constant 0 : i32
    %get3A_8 = arith.constant 0 : i32
    %get3A_9 = arith.index_cast %get3A_6 : i32 to index
    %get3A_10 = arith.index_cast %get3A_7 : i32 to index
    %get3A_11 = arith.index_cast %get3A_8 : i32 to index
    %get3A_12 = memref.load %arg6[%get3A_9, %get3A_10, %get3A_11] : memref<2x1x1xi32, #tpu.memory_space<smem>>
    %add3A = arith.addi %get3A_5, %get3A_12 : i32
    %gt3A = arith.constant 0 : i32
    %gt3A_13 = arith.cmpi sgt, %add3A, %gt3A : i32
    %convert_element_type3A = arith.extui %gt3A_13 : i1 to i32
    %cond3A = arith.constant 0 : i32
    %cond3A_14 = arith.cmpi ne, %convert_element_type3A, %cond3A : i32
    scf.if %cond3A_14 {
      %scan3A = arith.constant 0 : i32
      %scan3A_15 = arith.constant 0 : i32
      %scan3A_16 = arith.constant 16 : i32
      %scan3A_17 = arith.addi %scan3A_15, %scan3A_16 : i32
      %scan3A_18 = arith.constant 1 : i32
      scf.for %scan3A_20 = %scan3A_15 to %scan3A_17 step %scan3A_18  : i32 {
        %mul3A = arith.constant 1024 : i32
        %mul3A_21 = arith.muli %scan3A_20, %mul3A : i32
        "tpu.region"() ({
          %run_scoped3A = tpu.sem_alloc : memref<!tpu.dma_semaphore, #tpu.memory_space<semaphore_mem>>
          %dma_start3A = tpu.memref_slice %arg2[%mul3A_21] : memref<16384xi32, #tpu.memory_space<hbm>> -> memref<1024xi32, #tpu.memory_space<hbm>>
          tpu.enqueue_dma source(%dma_start3A : memref<1024xi32, #tpu.memory_space<hbm>>) target(%arg7 : memref<1024xi32, #tpu.memory_space<smem>>) target_semaphore(%run_scoped3A : memref<!tpu.dma_semaphore, #tpu.memory_space<semaphore_mem>>)
          %dma_wait3A = tpu.memref_slice %arg2[%mul3A_21] : memref<16384xi32, #tpu.memory_space<hbm>> -> memref<1024xi32, #tpu.memory_space<hbm>>
          tpu.wait_dma2 semaphore(%run_scoped3A : memref<!tpu.dma_semaphore, #tpu.memory_space<semaphore_mem>>) src(%dma_wait3A : memref<1024xi32, #tpu.memory_space<hbm>>) dst(%arg7 : memref<1024xi32, #tpu.memory_space<smem>>)
          tpu.yield
        }) : () -> ()
        %scan3A_22 = arith.constant 0 : i32
        %scan3A_23 = arith.constant 0 : i32
        %scan3A_24 = arith.constant 1024 : i32
        %scan3A_25 = arith.addi %scan3A_23, %scan3A_24 : i32
        %scan3A_26 = arith.constant 1 : i32
        scf.for %scan3A_28 = %scan3A_23 to %scan3A_25 step %scan3A_26  : i32 {
          %get3A_29 = arith.index_cast %scan3A_28 : i32 to index
          %get3A_30 = memref.load %arg7[%get3A_29] : memref<1024xi32, #tpu.memory_space<smem>>
          %ge3A = arith.constant 0 : i32
          %ge3A_31 = arith.cmpi sge, %get3A_30, %ge3A : i32
          %convert_element_type3A_32 = arith.extui %ge3A_31 : i1 to i32
          %cond3A_33 = arith.constant 0 : i32
          %cond3A_34 = arith.cmpi ne, %convert_element_type3A_32, %cond3A_33 : i32
          scf.if %cond3A_34 {
            %mul3A_35 = arith.constant 1024 : i32
            %mul3A_36 = arith.muli %scan3A_20, %mul3A_35 : i32
            %add3A_37 = arith.addi %mul3A_36, %scan3A_28 : i32
            "tpu.region"() ({
              %run_scoped3A = tpu.sem_alloc : memref<!tpu.dma_semaphore, #tpu.memory_space<semaphore_mem>>
              %dma_start3A = arith.constant 0 : i32
              %dma_start3A_38 = tpu.memref_slice %arg1[%add3A_37, %dma_start3A] : memref<16384x128xf32, #tpu.memory_space<hbm>> -> memref<1x128xf32, #tpu.memory_space<hbm>>
              tpu.enqueue_dma source(%dma_start3A_38 : memref<1x128xf32, #tpu.memory_space<hbm>>) target(%arg8 : memref<1x128xf32, #tpu.memory_space<vmem_shared>>) target_semaphore(%run_scoped3A : memref<!tpu.dma_semaphore, #tpu.memory_space<semaphore_mem>>)
              %dma_wait3A = arith.constant 0 : i32
              %dma_wait3A_39 = tpu.memref_slice %arg1[%add3A_37, %dma_wait3A] : memref<16384x128xf32, #tpu.memory_space<hbm>> -> memref<1x128xf32, #tpu.memory_space<hbm>>
              tpu.wait_dma2 semaphore(%run_scoped3A : memref<!tpu.dma_semaphore, #tpu.memory_space<semaphore_mem>>) src(%dma_wait3A_39 : memref<1x128xf32, #tpu.memory_space<hbm>>) dst(%arg8 : memref<1x128xf32, #tpu.memory_space<vmem_shared>>)
              tpu.yield
            }) : () -> ()
            "tpu.region"() ({
              %run_scoped3A = tpu.sem_alloc : memref<!tpu.dma_semaphore, #tpu.memory_space<semaphore_mem>>
              %dma_start3A = arith.constant 0 : i32
              %dma_start3A_38 = tpu.memref_slice %arg4[%get3A_30, %dma_start3A] : memref<208896x128xf32, #tpu.memory_space<hbm>> -> memref<1x128xf32, #tpu.memory_space<hbm>>
              tpu.enqueue_dma source(%arg8 : memref<1x128xf32, #tpu.memory_space<vmem_shared>>) target(%dma_start3A_38 : memref<1x128xf32, #tpu.memory_space<hbm>>) target_semaphore(%run_scoped3A : memref<!tpu.dma_semaphore, #tpu.memory_space<semaphore_mem>>)
              %dma_wait3A = arith.constant 0 : i32
              %dma_wait3A_39 = tpu.memref_slice %arg4[%get3A_30, %dma_wait3A] : memref<208896x128xf32, #tpu.memory_space<hbm>> -> memref<1x128xf32, #tpu.memory_space<hbm>>
              tpu.wait_dma2 semaphore(%run_scoped3A : memref<!tpu.dma_semaphore, #tpu.memory_space<semaphore_mem>>) src(%arg8 : memref<1x128xf32, #tpu.memory_space<vmem_shared>>) dst(%dma_wait3A_39 : memref<1x128xf32, #tpu.memory_space<hbm>>)
              tpu.yield
            }) : () -> ()
          } else {
          }
        }
        %scan3A_27 = arith.constant 1024 : i32
      }
      %scan3A_19 = arith.constant 16 : i32
    } else {
    }
    return
  }
}

module attributes {stable_mosaic.version = 14 : i64} {
  func.func @memory_banks_route(%arg0: i32, %arg1: memref<51x8192xf32, #tpu.memory_space<vmem>>, %arg2: memref<8192xi32, #tpu.memory_space<vmem>>, %arg3: memref<8192xi32, #tpu.memory_space<vmem>>, %arg4: memref<1x1x1xi32, #tpu.memory_space<smem>>) attributes {dimension_semantics = [#tpu.dimension_semantics<arbitrary>], iteration_bounds = array<i64: 2>, scalar_prefetch = 0 : i64, scratch_operands = 0 : i64, tpu.core_type = #tpu.core_type<tc>, window_params = [{transform_indices = @transform_0, window_bounds = array<i64: 51, 8192>}, {transform_indices = @transform_1, window_bounds = array<i64: 8192>}, {transform_indices = @transform_2, window_bounds = array<i64: 8192>}, {transform_indices = @transform_3, window_bounds = array<i64: 1, 1, 1>}]} {
    %get3A = arith.constant 0 : index
    %get3A_0 = arith.constant 0 : index
    %get3A_1 = vector.load %arg1[%get3A, %get3A_0] : memref<51x8192xf32, #tpu.memory_space<vmem>>, vector<51x8192xf32>
    %reduce_max3A = arith.constant dense<0xFF800000> : vector<8192xf32>
    %reduce_max3A_2 = vector.multi_reduction <maximumf>, %get3A_1, %reduce_max3A [0] : vector<51x8192xf32> to vector<8192xf32>
    %broadcast_in_dim3A = vector.shape_cast %reduce_max3A_2 : vector<8192xf32> to vector<1x8192xf32>
    %iota3A = tpu.iota {dimensions = array<i32: 0>} : vector<51x8192xi32>
    %ge3A = vector.broadcast %broadcast_in_dim3A : vector<1x8192xf32> to vector<51x8192xf32>
    %ge3A_3 = arith.cmpf oge, %get3A_1, %ge3A : vector<51x8192xf32>
    %jit3A = arith.constant 51 : i32
    %broadcast_in_dim3A_4 = vector.broadcast %jit3A : i32 to vector<51x8192xi32>
    %select_n3A = arith.select %ge3A_3, %iota3A, %broadcast_in_dim3A_4 : vector<51x8192xi1>, vector<51x8192xi32>
    %reduce_min3A = arith.constant dense<2147483647> : vector<8192xi32>
    %reduce_min3A_5 = vector.multi_reduction <minsi>, %select_n3A, %reduce_min3A [0] : vector<51x8192xi32> to vector<8192xi32>
    %sub3A = vector.broadcast %broadcast_in_dim3A : vector<1x8192xf32> to vector<51x8192xf32>
    %sub3A_6 = arith.subf %get3A_1, %sub3A : vector<51x8192xf32>
    %exp3A = math.exp %sub3A_6 : vector<51x8192xf32>
    %reduce_sum3A = arith.constant dense<0.000000e+00> : vector<8192xf32>
    %reduce_sum3A_7 = vector.multi_reduction <add>, %exp3A, %reduce_sum3A [0] : vector<51x8192xf32> to vector<8192xf32>
    %lt3A = arith.constant 1.11111116 : f32
    %lt3A_8 = vector.broadcast %lt3A : f32 to vector<8192xf32>
    %lt3A_9 = arith.cmpf olt, %reduce_sum3A_7, %lt3A_8 : vector<8192xf32>
    %mul3A = arith.constant 4096 : i32
    %mul3A_10 = vector.broadcast %mul3A : i32 to vector<8192xi32>
    %mul3A_11 = arith.muli %reduce_min3A_5, %mul3A_10 : vector<8192xi32>
    %get3A_12 = arith.constant 0 : index
    %get3A_13 = vector.load %arg2[%get3A_12] : memref<8192xi32, #tpu.memory_space<vmem>>, vector<8192xi32>
    %add3A = arith.addi %mul3A_11, %get3A_13 : vector<8192xi32>
    %jit3A_14 = arith.constant -1 : i32
    %broadcast_in_dim3A_15 = vector.broadcast %jit3A_14 : i32 to vector<8192xi32>
    %select_n3A_16 = arith.select %lt3A_9, %add3A, %broadcast_in_dim3A_15 : vector<8192xi1>, vector<8192xi32>
    %swap3A = arith.constant 0 : index
    %swap3A_17 = vector.load %arg3[%swap3A] : memref<8192xi32, #tpu.memory_space<vmem>>, vector<8192xi32>
    tpu.vector_store %arg3[%swap3A], %select_n3A_16 {strides = array<i32>} : memref<8192xi32, #tpu.memory_space<vmem>>, vector<8192xi32>,
    %jit3A_18 = arith.constant 1 : i32
    %jit3A_19 = arith.constant 0 : i32
    %broadcast_in_dim3A_20 = vector.broadcast %jit3A_18 : i32 to vector<8192xi32>
    %broadcast_in_dim3A_21 = vector.broadcast %jit3A_19 : i32 to vector<8192xi32>
    %select_n3A_22 = arith.select %lt3A_9, %broadcast_in_dim3A_20, %broadcast_in_dim3A_21 : vector<8192xi1>, vector<8192xi32>
    %reduce_sum3A_23 = vector.shape_cast %select_n3A_22 : vector<8192xi32> to vector<1x8192xi32>
    %reduce_sum3A_24 = arith.constant dense<0> : vector<1xi32>
    %reduce_sum3A_25 = vector.multi_reduction <add>, %reduce_sum3A_23, %reduce_sum3A_24 [1] : vector<1x8192xi32> to vector<1xi32>
    %reduce_sum3A_26 = vector.shape_cast %reduce_sum3A_25 : vector<1xi32> to vector<1x1xi32>
    %reduce_sum3A_27 = vector.extract %reduce_sum3A_26[0, 0] : i32 from vector<1x1xi32>
    %swap3A_28 = arith.constant 0 : index
    %swap3A_29 = arith.constant 0 : index
    %swap3A_30 = arith.constant 0 : index
    %swap3A_31 = memref.load %arg4[%swap3A_28, %swap3A_29, %swap3A_30] : memref<1x1x1xi32, #tpu.memory_space<smem>>
    memref.store %reduce_sum3A_27, %arg4[%swap3A_28, %swap3A_29, %swap3A_30] : memref<1x1x1xi32, #tpu.memory_space<smem>>
    return
  }
  func.func @transform_0(%arg0: i32) -> (i32, i32) {
    %c0_i32 = arith.constant 0 : i32
    %c0_i32_0 = arith.constant 0 : i32
    return %c0_i32, %arg0 : i32, i32
  }
  func.func @transform_1(%arg0: i32) -> i32 {
    %c0_i32 = arith.constant 0 : i32
    return %arg0 : i32
  }
  func.func @transform_2(%arg0: i32) -> i32 {
    %c0_i32 = arith.constant 0 : i32
    return %arg0 : i32
  }
  func.func @transform_3(%arg0: i32) -> (i32, i32, i32) {
    %c0_i32 = arith.constant 0 : i32
    %c0_i32_0 = arith.constant 0 : i32
    %c0_i32_1 = arith.constant 0 : i32
    return %arg0, %c0_i32, %c0_i32_0 : i32, i32, i32
  }
}

</mosaic_0001>

<sc_bundles>
// kernel: memory_banks_scatter.3.cloned.1.call-start
scs
__scs_entry_jumppad:
0x0: {  	(pc) =	sbr.rel $0x88, $3  }
0x1: {  	(tag) =	ssettag $0x0;
	lr =	simm.s32 $0x1  }
0x2: {  	[smem:$0x3F9D] =	sst lr;
	_ =	strace $0xD0000000  }
0x3: {  	_ = 	snop  }
0x4: {  	_ = 	snop  }
0x5: {  	_ = 	snop  }
0x6: {  	_ = 	snop  }
0x7: {  	_ = 	snop  }
__scs_overlays_trampoline_lowered:
0x8: {  	[smem:$0x3FAC] =	sst s0  }
0x9: {  	[smem:$0x3FAD] =	sst s1  }
0xa: {  	[smem:$0x3FAE] =	sst s2  }
0xb: {  	[smem:$0x3FAF] =	sst s3  }
0xc: {  	[smem:$0x3FB0] =	sst s4  }
0xd: {  	[smem:$0x3FB1] =	sst s5  }
0xe: {  	[smem:$0x3FB2] =	sst s6  }
0xf: {  	[smem:$0x3FB3] =	sst s7  }
0x10: {  	[smem:$0x3FB4] =	sst s8  }
0x11: {  	[smem:$0x3FB5] =	sst s9;
	s0 =	simm.s32 @!p0 $0x0  }
0x12: {  	s1 =	sld [smem:$0x3F9B];
	s0 =	simm.s32 @p0 $0x1  }
0x13: {  	[smem:$0x3FB6] =	sst s0;
	s0 =	simm.s32 @!p1 $0x0  }
0x14: {  	s2 =	sld [smem:$0x3F9A];
	s0 =	simm.s32 @p1 $0x1  }
0x15: {  	[smem:$0x3FB7] =	sst s0;
	s0 =	simm.s32 @!p2 $0x0  }
0x16: {  	s3 =	sld [smem:$0x3FDB];
	s0 =	simm.s32 @p2 $0x1  }
0x17: {  	s4 =	simm.s32 $0x1BF5;
	[smem:$0x3FB9] =	sst s0  }
0x18: {  	s0 =	sld [smem:$0x3F9C];
	_ =	swait.ge [sflag:s4], $0x0  }
0x19: {  	s7 =	sld [smem:$0x3F9D]  }
0x1a: {  	s8 =	sadd.s32 $0xFFFFE003, lr  }
0x1b: {  	s9 =	sadd.s32 $0xFFFFFEF7, lr;
	s5 =	simm.s32 $0xFFFFFFFF;
	p2 =	slt.u32 s8, $0xFFFFF086  }
0x1c: {  	p1 =	slt.u32 s9, $0xF7A;
	s5 =	simm.s32 @!p2 $0x0  }
0x1d: {  	s5 =	simm.s32 @p1 $0x1;
	p0 =	seq.s32 s7, s2  }
0x1e: {  	s7 =	smul.u32 @!p0 $0xF7A, s2;
	p2 =	seq.s32 @!p0 s5, $0x0  }
0x1f: {  	s9 =	smul.u32 $0xF7A, s1;
	s8 =	simm.s32 @!p0 $0x1BF5;
	p2 =	por !p2, p0  }
0x20: {  	[sflag:s8] =	ssyncset.s32 @!p0 $0xFFFFF086;
	s6 =	sadd.s32 @!p0 s3, s7;
	s7 =	simm.s32 @!p0 $0x108  }
0x21: {  	s3 =	sadd.s32 s3, s9;
	s6 =	sadd.s32 @!p0 $0x88, s6;
	s7 =	simm.s32 @p2 $0x1082  }
0x22: {  	[simem:s7], [sflag:s8] =	dma.local @!p0 [hbm:s6], $0xF7A  }
0x23: {  	s9 =	sor.u32 $0xD0000000, s2;
	s6 =	simm.s32 $0x108;
	_ =	swait.ge @!p0 [sflag:s8], $0x0  }
0x24: {  	s3 =	sadd.s32 $0x88, s3;
	s6 =	simm.s32 @!p1 $0x1082;
	[sflag:s4] =	ssyncset.s32 $0xFFFFF086  }
0x25: {  	[simem:s6], [sflag:s4] =	dma.local [hbm:s3], $0xF7A  }
0x26: {  	[smem:$0x3F9D] =	sst s1;
	(tag) =	ssettag s2;
	_ =	strace s9  }
0x27: {  	s1 =	sld [smem:$0x3FAD]  }
0x28: {  	s2 =	sld [smem:$0x3FAE]  }
0x29: {  	s4 =	sld [smem:$0x3FB0]  }
0x2a: {  	p0 =	seq.s32 s5, $0x0;
	s5 =	sld [smem:$0x3FB1]  }
0x2b: {  	s6 =	sld [smem:$0x3FB2]  }
0x2c: {  	s7 =	sld [smem:$0x3FB3]  }
0x2d: {  	s3 =	simm.s32 $0x108;
	s8 =	sld [smem:$0x3FB4]  }
0x2e: {  	s3 =	simm.s32 @!p0 $0x1082;
	s9 =	sld [smem:$0x3FB5]  }
0x2f: {  	lr =	sadd.s32 s0, s3;
	s0 =	sld [smem:$0x3FAC]  }
0x30: {  	s3 =	sld [smem:$0x3FAF]  }
0x31: {  	[smem:$0x3FB8] =	sst s10  }
0x32: {  	s10 =	sld [smem:$0x3FB6];
	_ =	sdelay $0x3  }
0x33: {  	p0 =	seq.s32 s10, $0x1;
	s10 =	sld [smem:$0x3FB8];
	_ =	sdelay $0x3  }
0x34: {  	[smem:$0x3FB8] =	sst s10  }
0x35: {  	s10 =	sld [smem:$0x3FB7];
	_ =	sdelay $0x3  }
0x36: {  	p1 =	seq.s32 s10, $0x1;
	s10 =	sld [smem:$0x3FB8];
	_ =	sdelay $0x3  }
0x37: {  	[smem:$0x3FB8] =	sst s10  }
0x38: {  	s10 =	sld [smem:$0x3FB9]  }
0x39: {  	_ = 	snop;
	(pc) =	sbr.ind lr, $3  }
0x3a: {  	_ = 	snop  }
0x3b: {  	_ = 	snop  }
0x3c: {  	p2 =	seq.s32 s10, $0x1;
	s10 =	sld [smem:$0x3FB8]  }
0x3d: {  	_ =	shalt  }
0x3e: {  	_ =	shalt  }
0x3f: {  	_ =	shalt  }
0x40: {  	_ =	shalt  }
0x41: {  	_ =	shalt  }
0x42: {  	_ =	shalt  }
0x43: {  	_ =	shalt  }
0x44: {  	_ =	shalt  }
0x45: {  	_ =	shalt  }
0x46: {  	_ =	shalt  }
0x47: {  	_ =	shalt  }
0x48: {  	_ =	shalt  }
0x49: {  	_ =	shalt  }
0x4a: {  	_ =	shalt  }
0x4b: {  	_ =	shalt  }
0x4c: {  	_ =	shalt  }
0x4d: {  	_ =	shalt  }
0x4e: {  	_ =	shalt  }
0x4f: {  	_ =	shalt  }
0x50: {  	_ =	shalt  }
0x51: {  	_ =	shalt  }
0x52: {  	_ =	shalt  }
0x53: {  	_ =	shalt  }
0x54: {  	_ =	shalt  }
0x55: {  	_ =	shalt  }
0x56: {  	_ =	shalt  }
0x57: {  	_ =	shalt  }
0x58: {  	_ =	shalt  }
0x59: {  	_ =	shalt  }
0x5a: {  	_ =	shalt  }
0x5b: {  	_ =	shalt  }
0x5c: {  	_ =	shalt  }
0x5d: {  	_ =	shalt  }
0x5e: {  	_ =	shalt  }
0x5f: {  	_ =	shalt  }
0x60: {  	_ =	shalt  }
0x61: {  	_ =	shalt  }
0x62: {  	_ =	shalt  }
0x63: {  	_ =	shalt  }
0x64: {  	_ =	shalt  }
0x65: {  	_ =	shalt  }
0x66: {  	_ =	shalt  }
0x67: {  	_ =	shalt  }
0x68: {  	_ =	shalt  }
0x69: {  	_ =	shalt  }
0x6a: {  	_ =	shalt  }
0x6b: {  	_ =	shalt  }
0x6c: {  	_ =	shalt  }
0x6d: {  	_ =	shalt  }
0x6e: {  	_ =	shalt  }
0x6f: {  	_ =	shalt  }
0x70: {  	_ =	shalt  }
0x71: {  	_ =	shalt  }
0x72: {  	_ =	shalt  }
0x73: {  	_ =	shalt  }
0x74: {  	_ =	shalt  }
0x75: {  	_ =	shalt  }
0x76: {  	_ =	shalt  }
0x77: {  	_ =	shalt  }
0x78: {  	_ =	shalt  }
0x79: {  	_ =	shalt  }
0x7a: {  	_ =	shalt  }
0x7b: {  	_ =	shalt  }
0x7c: {  	_ =	shalt  }
0x7d: {  	_ =	shalt  }
0x7e: {  	_ =	shalt  }
0x7f: {  	_ =	shalt  }
0x80: {  	_ =	shalt  }
0x81: {  	_ =	shalt  }
0x82: {  	_ =	shalt  }
0x83: {  	_ =	shalt  }
0x84: {  	_ =	shalt  }
0x85: {  	_ =	shalt  }
0x86: {  	_ =	shalt  }
0x87: {  	_ =	shalt  }
.Lfunc_end0:
.L_simem_size_0:
called_computation_lowered:
.L_overlay_start_0:
0x88: {  	s0 =	sld [smem:$0x3FD9]  }
0x89: {  	s1 =	sld [smem:$0x3FFE];
	_ =	sdelay $0x3  }
0x8a: {  	s0 =	sadd.s32 s1, s0  }
0x8b: {  	s2 =	simm.s32 $0x0;
	[smem:$0x3FC4] =	sst s0  }
0x8c: {  	[smem:$0xF] =	sst s2  }
0x8d: {  	s0 =	sld [smem:$0x3FC8]  }
0x8e: {  	s1 =	sld [smem:$0x3FD0];
	(tm) =	ssettm $0x1  }
0x8f: {  	s3 =	sld [smem:$0x3FFB];
	_ =	sdelay $0x3  }
0x90: {  	_ =	strace s3  }
0x91: {  	s3 =	sld [smem:$0x3FFC];
	_ =	sdelay $0x3  }
0x92: {  	_ =	strace s3  }
0x93: {  	s3 =	sld [smem:$0x3FFD];
	_ =	sdelay $0x3  }
0x94: {  	_ =	strace s3  }
0x95: {  	s28 =	simm.s32 $0x1B8B;
	_ =	strace $0x8FFFFFFF  }
0x96: {  	_ =	swait.ge [sflag:s28], $0x1  }
0x97: {  	s5 =	sld [smem:$0x3FFE]  }
0x98: {  	[sflag:s28] =	ssyncset.done $0x0  }
0x99: {  	s29 =	simm.s32 $0x1B8E;
	[sflag:s28] =	ssyncadd.s32 $0xFFFFFFFF  }
0x9a: {  	s6 =	simm.s32 $0x10;
	[smem:$0x3FD2] =	sst s29  }
0x9b: {  	s3 =	simm.s32 $0x9;
	_ =	strace $0x80000046;
	s4 =	sadd.s32 $0x1600, s5  }
0x9c: {  	[smem:s6], [sflag:s3] =	dma.local [hbm:s4], $0x20  }
0x9d: {  	_ =	swait.ge [sflag:s3], $0x20  }
0x9e: {  	[sflag:s3] =	ssyncset.done $0x0  }
0x9f: {  	[sflag:s3] =	ssyncadd.s32 $0xFFFFFFE0  }
0xa0: {  	s30 =	sld [smem:$0x10]  }
0xa1: {  	s31 =	sld [smem:$0x90];
	_ =	sdelay $0x3  }
0xa2: {  	s4 =	sadd.s32 s30, s31  }
0xa3: {  	p0 =	slt.s32 s4, $0x1  }
.Ltmp0:
0xa4: {  	_ = 	snop;
	(pc) =	sbr.rel @p0 .LBB1_5-.Ltmp0, $2  }
0xa5: {  	_ =	sdelay $0x1  }
0xa6: {  	s4 =	srdreg.scid  }
0xa7: {  	s5 =	sadd.s32 $0xE00, s5;
	s6 =	simm.s32 $0x110  }
.LBB1_2:
0xa8: {  	s7 =	sshll.u32 s2, $0x7  }
0xa9: {  	s7 =	sadd.s32 s5, s7  }
0xaa: {  	[smem:s6], [sflag:s3] =	dma.local [hbm:s7], $0x80  }
0xab: {  	_ =	swait.ge [sflag:s3], $0x80  }
0xac: {  	[sflag:s3] =	ssyncset.done $0x0  }
0xad: {  	[sflag:s3] =	ssyncadd.s32 $0xFFFFFF80  }
0xae: {  	s7 =	sld [smem:$0x110];
	_ =	sdelay $0x3  }
0xaf: {  	p0 =	slt.s32 s7, $0x0  }
0xb0: {  	s8 =	simm.s32 @!p0 $0xA;
	s9 =	simm.s32 @!p0 $0x0  }
0xb1: {  	[spmem:s9], [sflag:s8] =	dma.local @!p0 [hbm:s0], $0x10  }
0xb2: {  	_ =	swait.ge @!p0 [sflag:s8], $0x10  }
0xb3: {  	s7 =	sshll.u32 @!p0 s7, $0x4;
	[sflag:s8] =	ssyncset.done @!p0 $0x0  }
0xb4: {  	s7 =	sand.u32 @!p0 $0x1FFFFFF0, s7;
	[sflag:s8] =	ssyncadd.s32 @!p0 $0xFFFFFFF0  }
0xb5: {  	s10 =	simm.s32 @!p0 $0x9;
	s7 =	sadd.s32 @!p0 s1, s7  }
0xb6: {  	[hbm:s7], [sflag:s3] =	dma.local @!p0 [spmem:s9], $0x10  }
0xb7: {  	s8 =	simm.s32 $0x4;
	_ =	swait.ge @!p0 [sflag:s10], $0x10  }
0xb8: {  	s9 =	simm.s32 $0x8;
	s7 =	sadd.s32 $0x10, s0;
	[sflag:s10] =	ssyncset.done @!p0 $0x0  }
.LBB1_3:
0xb9: {  	s11 =	sshra.s32 s8, $0x2  }
0xba: {  	[sflag:s10] =	ssyncadd.s32 @!p0 $0xFFFFFFF0;
	s8 =	smov.u32 s9;
	s9 =	sadd.s32 $0x4, s9  }
0xbb: {  	p1 =	sne.s32 s9, $0x1000;
	s10 =	sld [smem:s11+$0x110];
	_ =	sdelay $0x3  }
0xbc: {  	p0 =	slt.s32 s10, $0x0  }
0xbd: {  	s11 =	simm.s32 @!p0 $0xA;
	s12 =	simm.s32 @!p0 $0x0;
	s10 =	sshll.u32 @!p0 s10, $0x4  }
0xbe: {  	[spmem:s12], [sflag:s11] =	dma.local @!p0 [hbm:s7], $0x10  }
0xbf: {  	s10 =	sand.u32 @!p0 $0x1FFFFFF0, s10;
	_ =	swait.ge @!p0 [sflag:s11], $0x10  }
0xc0: {  	s13 =	sadd.s32 @!p0 s1, s10;
	[sflag:s11] =	ssyncset.done @!p0 $0x0  }
0xc1: {  	[sflag:s11] =	ssyncadd.s32 @!p0 $0xFFFFFFF0  }
.Ltmp1:
0xc2: {  	s10 =	simm.s32 @!p0 $0x9;
	(pc) =	sbr.rel @p1 .LBB1_3-.Ltmp1, $3  }
0xc3: {  	[hbm:s13], [sflag:s3] =	dma.local @!p0 [spmem:s12], $0x10  }
0xc4: {  	_ =	swait.ge @!p0 [sflag:s10], $0x10  }
0xc5: {  	s7 =	sadd.s32 $0x10, s7;
	[sflag:s10] =	ssyncset.done @!p0 $0x0  }
0xc6: {  	s8 =	sshra.s32 s8, $0x2;
	[sflag:s10] =	ssyncadd.s32 @!p0 $0xFFFFFFF0  }
0xc7: {  	s8 =	sld [smem:s8+$0x110];
	_ =	sdelay $0x3  }
0xc8: {  	p0 =	slt.s32 s8, $0x0  }
0xc9: {  	s9 =	simm.s32 @!p0 $0xA;
	s10 =	simm.s32 @!p0 $0x0  }
0xca: {  	[spmem:s10], [sflag:s9] =	dma.local @!p0 [hbm:s7], $0x10  }
0xcb: {  	s7 =	sshll.u32 @!p0 s8, $0x4;
	_ =	swait.ge @!p0 [sflag:s9], $0x10  }
0xcc: {  	s2 =	sadd.s32 $0x1, s2;
	s7 =	sand.u32 @!p0 $0x1FFFFFF0, s7;
	[sflag:s9] =	ssyncset.done @!p0 $0x0  }
0xcd: {  	p1 =	sne.s32 s2, $0x10;
	s7 =	sadd.s32 @!p0 s1, s7;
	[sflag:s9] =	ssyncadd.s32 @!p0 $0xFFFFFFF0  }
0xce: {  	[hbm:s7], [sflag:s3] =	dma.local @!p0 [spmem:s10], $0x10  }
.Ltmp2:
0xcf: {  	s8 =	simm.s32 @!p0 $0x9;
	(pc) =	sbr.rel @p1 .LBB1_2-.Ltmp2, $3  }
0xd0: {  	_ =	swait.ge @!p0 [sflag:s8], $0x10  }
0xd1: {  	[sflag:s8] =	ssyncset.done @!p0 $0x0  }
0xd2: {  	s0 =	sadd.s32 $0x4000, s0;
	[sflag:s8] =	ssyncadd.s32 @!p0 $0xFFFFFFF0  }
.LBB1_5:
0xd3: {  	_ =	strace $0x90000046  }
0xd4: {  	_ =	sfence  }
0xd5: {  	s0 =	sld [smem:$0x0];
	_ =	sdelay $0x2  }
0xd6: {  	s1 =	sshll.u32 s4, $0xD;
	s2 =	sshrl.u32 s4, $0x2  }
0xd7: {  	s3 =	sand.u32 $0x1, s4;
	s1 =	sand.u32 $0x4000, s1;
	s0 =	sadd.s32 s2, s0  }
0xd8: {  	s1 =	sor.u32 s1, s3;
	s0 =	sshll.u32 s0, $0x11  }
0xd9: {  	s0 =	sor.u32 s0, s1  }
0xda: {  	s0 =	sadd.s32 $0x8F2B, s0;
	(pc) =	sbr.abs _section_cstart, $3  }
0xdb: {  	[sflag:s0] =	ssyncadd.remote.s32 $0x1  }
0xdc: {  	_ =	strace $0x9FFFFFFF  }
0xdd: {  	(tm) =	ssettm $0x7FFFFFFF  }

</sc_bundles>
